<compile_context>
chip_gen: v7x
topology: tpu7x:2x2x1
jax: 0.10.2.dev20260603
libtpu: 0.0.44.dev20260713+nightly
codegen_flags: <defaults>
</compile_context>

<pallas_src>
import functools

import jax
import jax.numpy as jnp
from jax import lax
from jax.experimental import pallas as pl
from jax.experimental.pallas import tpu as pltpu
from jax.experimental.pallas import tpu_sc as plsc

VOCAB = 1_000_000
DIM = 64
PAD = 128
BATCH = 4096
SEQLEN = 200
TOTAL = BATCH * SEQLEN

_INFO = plsc.get_sparse_core_info()
NC = _INFO.num_cores
NS = _INFO.num_subcores
NW = NC * NS
B_PER_W = TOTAL // NW
CHUNK = 256
N_CHUNKS = B_PER_W // CHUNK
NBUF = 4
N_OUTER = N_CHUNKS // NBUF


def _body(seq_hbm, table_hbm, out_hbm, idx_v, *rest):
    bufs = rest[:NBUF]
    gsems = rest[NBUF:2 * NBUF]
    osems = rest[2 * NBUF:3 * NBUF]
    wid = lax.axis_index("s") * NC + lax.axis_index("c")
    base = wid * B_PER_W
    pltpu.sync_copy(seq_hbm.at[wid], idx_v)

    def gather(j, b):
        return pltpu.make_async_copy(
            table_hbm.at[idx_v.at[j]], bufs[b], gsems[b])

    def out_copy(j, b):
        return pltpu.make_async_copy(
            bufs[b],
            out_hbm.at[pl.ds(base + j * CHUNK, CHUNK), pl.ds(0, DIM)],
            osems[b])

    for b in range(NBUF):
        gather(b, b).start()

    def step(g, _):
        for b in range(NBUF):
            j = g * NBUF + b
            gather(j, b).wait()
            out_copy(j, b).start()
        for b in range(NBUF):
            j = g * NBUF + b
            out_copy(j, b).wait()

            @pl.when(g + 1 < N_OUTER)
            def _():
                gather(j + NBUF, b).start()
        return 0

    lax.fori_loop(0, N_OUTER, step, 0)


@jax.jit
def _lookup(seq, table):
    idx3d = seq.reshape(NW, N_CHUNKS, CHUNK)
    kern = pl.kernel(
        _body,
        out_type=jax.ShapeDtypeStruct((TOTAL, PAD), jnp.float32),
        mesh=plsc.VectorSubcoreMesh(core_axis_name="c", subcore_axis_name="s"),
        scratch_types=(
            [pltpu.VMEM((N_CHUNKS, CHUNK), jnp.int32)]
            + [pltpu.VMEM((CHUNK, DIM), jnp.float32) for _ in range(NBUF)]
            + [pltpu.SemaphoreType.DMA for _ in range(2 * NBUF)]
        ),
        compiler_params=pltpu.CompilerParams(use_tc_tiling_on_sc=False),
    )
    return kern(idx3d, table)[:, :DIM]


def kernel(seq, table):
    out = _lookup(seq.reshape(TOTAL).astype(jnp.int32), table)
    return out.reshape(BATCH, SEQLEN, DIM)

# --- scband reference (transcript-rebuilt; emitter-appended) ---
"""Pipeline reference for scband-word-embeddings-64269890617612 (READ-ONLY COPY).

The authoritative reference and input builder live on the scoring server;
editing this copy changes nothing except your own understanding.
"""

import jax, jax.numpy as jnp
import numpy as np

VOCAB_SIZE = 1000000
EMBED_DIM = 64
BATCH = 4096
SEQLEN = 200

def setup_inputs(seed: int = 0) -> dict:
    key = jax.random.key(seed)
    k_seq, k_tab = jax.random.split(key)
    seq = jax.random.randint(k_seq, (BATCH, SEQLEN), 0, VOCAB_SIZE, dtype=jnp.int64 if jax.config.read('jax_enable_x64') else jnp.int32)
    table = jax.random.normal(k_tab, (VOCAB_SIZE, EMBED_DIM), dtype=jnp.float32)
    return {"seq": seq, "table": table}

def reference(seq, table):
    # nn.Embedding lookup: out[b, t, :] = table[seq[b, t], :]
    return jnp.take(table, seq, axis=0)

if __name__ == "__main__":
    import jax
    _d = setup_inputs()
    print(jax.jit(kernel)(*tuple(_d.values())))

</pallas_src>

<mosaic_0001>
#map = affine_map<(d0, d1) -> (0, 0, 0)>
#map1 = affine_map<(d0, d1) -> (0, 0)>
module attributes {stable_mosaic.version = 14 : i64} {
  func.func @_body(%arg0: i32, %arg1: i32, %arg2: memref<32x100x256xi32, #tpu.memory_space<hbm>>, %arg3: memref<1000000x64xf32, #tpu.memory_space<hbm>>, %arg4: memref<819200x128xf32, #tpu.memory_space<hbm>>, %arg5: memref<100x256xi32, #tpu.memory_space<vmem>>, %arg6: memref<256x64xf32, #tpu.memory_space<vmem>>, %arg7: memref<256x64xf32, #tpu.memory_space<vmem>>, %arg8: memref<256x64xf32, #tpu.memory_space<vmem>>, %arg9: memref<256x64xf32, #tpu.memory_space<vmem>>, %arg10: memref<!tpu.dma_semaphore, #tpu.memory_space<semaphore_mem>>, %arg11: memref<!tpu.dma_semaphore, #tpu.memory_space<semaphore_mem>>, %arg12: memref<!tpu.dma_semaphore, #tpu.memory_space<semaphore_mem>>, %arg13: memref<!tpu.dma_semaphore, #tpu.memory_space<semaphore_mem>>, %arg14: memref<!tpu.dma_semaphore, #tpu.memory_space<semaphore_mem>>, %arg15: memref<!tpu.dma_semaphore, #tpu.memory_space<semaphore_mem>>, %arg16: memref<!tpu.dma_semaphore, #tpu.memory_space<semaphore_mem>>, %arg17: memref<!tpu.dma_semaphore, #tpu.memory_space<semaphore_mem>>) attributes {dimension_semantics = [#tpu.dimension_semantics<core_parallel>, #tpu.dimension_semantics<subcore_parallel>], iteration_bounds = array<i64: 2, 16>, scalar_prefetch = 0 : i64, scratch_operands = 13 : i64, tpu.core_type = #tpu.core_type<sc_vector_subcore>, window_params = [{transform_indices = #map}, {transform_indices = #map1}, {transform_indices = #map1}]} {
    %mul3A = arith.constant 2 : i32
    %mul3A_0 = arith.muli %arg1, %mul3A : i32
    %add3A = arith.addi %mul3A_0, %arg0 : i32
    %mul3A_1 = arith.constant 25600 : i32
    %mul3A_2 = arith.muli %add3A, %mul3A_1 : i32
    "tpu.region"() ({
      %run_scoped3A = tpu.sem_alloc : memref<!tpu.dma_semaphore, #tpu.memory_space<semaphore_mem>>
      %dma_start3A_36 = arith.constant 0 : i32
      %dma_start3A_37 = arith.constant 0 : i32
      %dma_start3A_38 = tpu.memref_slice %arg2[%add3A, %dma_start3A_36, %dma_start3A_37] : memref<32x100x256xi32, #tpu.memory_space<hbm>> -> memref<1x100x256xi32, #tpu.memory_space<hbm>>
      %dma_start3A_39 = tpu.memref_squeeze %dma_start3A_38 : memref<1x100x256xi32, #tpu.memory_space<hbm>> -> memref<100x256xi32, #tpu.memory_space<hbm>>
      %dma_start3A_40 = arith.constant 0 : i32
      %dma_start3A_41 = arith.constant 0 : i32
      %dma_start3A_42 = tpu.memref_slice %arg2[%add3A, %dma_start3A_40, %dma_start3A_41] : memref<32x100x256xi32, #tpu.memory_space<hbm>> -> memref<1x100x256xi32, #tpu.memory_space<hbm>>
      %dma_start3A_43 = tpu.memref_squeeze %dma_start3A_42 : memref<1x100x256xi32, #tpu.memory_space<hbm>> -> memref<100x256xi32, #tpu.memory_space<hbm>>
      tpu.enqueue_dma source(%dma_start3A_43 : memref<100x256xi32, #tpu.memory_space<hbm>>) target(%arg5 : memref<100x256xi32, #tpu.memory_space<vmem>>) target_semaphore(%run_scoped3A : memref<!tpu.dma_semaphore, #tpu.memory_space<semaphore_mem>>)
      %dma_wait3A = arith.constant 0 : i32
      %dma_wait3A_44 = arith.constant 0 : i32
      %dma_wait3A_45 = tpu.memref_slice %arg2[%add3A, %dma_wait3A, %dma_wait3A_44] : memref<32x100x256xi32, #tpu.memory_space<hbm>> -> memref<1x100x256xi32, #tpu.memory_space<hbm>>
      %dma_wait3A_46 = tpu.memref_squeeze %dma_wait3A_45 : memref<1x100x256xi32, #tpu.memory_space<hbm>> -> memref<100x256xi32, #tpu.memory_space<hbm>>
      %dma_wait3A_47 = arith.constant 0 : i32
      %dma_wait3A_48 = arith.constant 0 : i32
      %dma_wait3A_49 = tpu.memref_slice %arg2[%add3A, %dma_wait3A_47, %dma_wait3A_48] : memref<32x100x256xi32, #tpu.memory_space<hbm>> -> memref<1x100x256xi32, #tpu.memory_space<hbm>>
      %dma_wait3A_50 = tpu.memref_squeeze %dma_wait3A_49 : memref<1x100x256xi32, #tpu.memory_space<hbm>> -> memref<100x256xi32, #tpu.memory_space<hbm>>
      tpu.wait_dma2 semaphore(%run_scoped3A : memref<!tpu.dma_semaphore, #tpu.memory_space<semaphore_mem>>) src(%dma_wait3A_50 : memref<100x256xi32, #tpu.memory_space<hbm>>) dst(%arg5 : memref<100x256xi32, #tpu.memory_space<vmem>>)
      tpu.yield
    }) : () -> ()
    %dma_start3A = arith.constant 0 : i32
    %dma_start3A_3 = arith.constant 0 : i32
    %dma_start3A_4 = tpu.memref_slice %arg5[%dma_start3A, %dma_start3A_3] : memref<100x256xi32, #tpu.memory_space<vmem>> -> memref<1x256xi32, #tpu.memory_space<vmem>>
    %dma_start3A_5 = tpu.memref_squeeze %dma_start3A_4 : memref<1x256xi32, #tpu.memory_space<vmem>> -> memref<256xi32, #tpu.memory_space<vmem>>
    %dma_start3A_6 = arith.constant 0 : i32
    %dma_start3A_7 = arith.constant 0 : i32
    %dma_start3A_8 = tpu.memref_slice %arg3[%dma_start3A_6, %dma_start3A_7] : memref<1000000x64xf32, #tpu.memory_space<hbm>> -> memref<1000000x64xf32, #tpu.memory_space<hbm>>
    tpu.enqueue_indirect_dma source(%dma_start3A_8 : memref<1000000x64xf32, #tpu.memory_space<hbm>>) target(%arg6 : memref<256x64xf32, #tpu.memory_space<vmem>>) offsets(%dma_start3A_5 : memref<256xi32, #tpu.memory_space<vmem>>) semaphore(%arg10 : memref<!tpu.dma_semaphore, #tpu.memory_space<semaphore_mem>>)
    %dma_start3A_9 = arith.constant 1 : i32
    %dma_start3A_10 = arith.constant 0 : i32
    %dma_start3A_11 = tpu.memref_slice %arg5[%dma_start3A_9, %dma_start3A_10] : memref<100x256xi32, #tpu.memory_space<vmem>> -> memref<1x256xi32, #tpu.memory_space<vmem>>
    %dma_start3A_12 = tpu.memref_squeeze %dma_start3A_11 : memref<1x256xi32, #tpu.memory_space<vmem>> -> memref<256xi32, #tpu.memory_space<vmem>>
    %dma_start3A_13 = arith.constant 0 : i32
    %dma_start3A_14 = arith.constant 0 : i32
    %dma_start3A_15 = tpu.memref_slice %arg3[%dma_start3A_13, %dma_start3A_14] : memref<1000000x64xf32, #tpu.memory_space<hbm>> -> memref<1000000x64xf32, #tpu.memory_space<hbm>>
    tpu.enqueue_indirect_dma source(%dma_start3A_15 : memref<1000000x64xf32, #tpu.memory_space<hbm>>) target(%arg7 : memref<256x64xf32, #tpu.memory_space<vmem>>) offsets(%dma_start3A_12 : memref<256xi32, #tpu.memory_space<vmem>>) semaphore(%arg11 : memref<!tpu.dma_semaphore, #tpu.memory_space<semaphore_mem>>)
    %dma_start3A_16 = arith.constant 2 : i32
    %dma_start3A_17 = arith.constant 0 : i32
    %dma_start3A_18 = tpu.memref_slice %arg5[%dma_start3A_16, %dma_start3A_17] : memref<100x256xi32, #tpu.memory_space<vmem>> -> memref<1x256xi32, #tpu.memory_space<vmem>>
    %dma_start3A_19 = tpu.memref_squeeze %dma_start3A_18 : memref<1x256xi32, #tpu.memory_space<vmem>> -> memref<256xi32, #tpu.memory_space<vmem>>
    %dma_start3A_20 = arith.constant 0 : i32
    %dma_start3A_21 = arith.constant 0 : i32
    %dma_start3A_22 = tpu.memref_slice %arg3[%dma_start3A_20, %dma_start3A_21] : memref<1000000x64xf32, #tpu.memory_space<hbm>> -> memref<1000000x64xf32, #tpu.memory_space<hbm>>
    tpu.enqueue_indirect_dma source(%dma_start3A_22 : memref<1000000x64xf32, #tpu.memory_space<hbm>>) target(%arg8 : memref<256x64xf32, #tpu.memory_space<vmem>>) offsets(%dma_start3A_19 : memref<256xi32, #tpu.memory_space<vmem>>) semaphore(%arg12 : memref<!tpu.dma_semaphore, #tpu.memory_space<semaphore_mem>>)
    %dma_start3A_23 = arith.constant 3 : i32
    %dma_start3A_24 = arith.constant 0 : i32
    %dma_start3A_25 = tpu.memref_slice %arg5[%dma_start3A_23, %dma_start3A_24] : memref<100x256xi32, #tpu.memory_space<vmem>> -> memref<1x256xi32, #tpu.memory_space<vmem>>
    %dma_start3A_26 = tpu.memref_squeeze %dma_start3A_25 : memref<1x256xi32, #tpu.memory_space<vmem>> -> memref<256xi32, #tpu.memory_space<vmem>>
    %dma_start3A_27 = arith.constant 0 : i32
    %dma_start3A_28 = arith.constant 0 : i32
    %dma_start3A_29 = tpu.memref_slice %arg3[%dma_start3A_27, %dma_start3A_28] : memref<1000000x64xf32, #tpu.memory_space<hbm>> -> memref<1000000x64xf32, #tpu.memory_space<hbm>>
    tpu.enqueue_indirect_dma source(%dma_start3A_29 : memref<1000000x64xf32, #tpu.memory_space<hbm>>) target(%arg9 : memref<256x64xf32, #tpu.memory_space<vmem>>) offsets(%dma_start3A_26 : memref<256xi32, #tpu.memory_space<vmem>>) semaphore(%arg13 : memref<!tpu.dma_semaphore, #tpu.memory_space<semaphore_mem>>)
    %scan3A = arith.constant 0 : i32
    %scan3A_30 = arith.constant 0 : i32
    %scan3A_31 = arith.constant 25 : i32
    %scan3A_32 = arith.addi %scan3A_30, %scan3A_31 : i32
    %scan3A_33 = arith.constant 1 : i32
    %scan3A_34 = scf.for %scan3A_36 = %scan3A_30 to %scan3A_32 step %scan3A_33 iter_args(%scan3A_37 = %scan3A) -> (i32)  : i32 {
      %mul3A_38 = arith.constant 4 : i32
      %mul3A_39 = arith.muli %scan3A_36, %mul3A_38 : i32
      %add3A_40 = arith.constant 0 : i32
      %add3A_41 = arith.addi %mul3A_39, %add3A_40 : i32
      %dma_wait3A = arith.constant 0 : i32
      %dma_wait3A_42 = tpu.memref_slice %arg5[%add3A_41, %dma_wait3A] : memref<100x256xi32, #tpu.memory_space<vmem>> -> memref<1x256xi32, #tpu.memory_space<vmem>>
      %dma_wait3A_43 = tpu.memref_squeeze %dma_wait3A_42 : memref<1x256xi32, #tpu.memory_space<vmem>> -> memref<256xi32, #tpu.memory_space<vmem>>
      %dma_wait3A_44 = arith.constant 0 : i32
      %dma_wait3A_45 = arith.constant 0 : i32
      %dma_wait3A_46 = tpu.memref_slice %arg3[%dma_wait3A_44, %dma_wait3A_45] : memref<1000000x64xf32, #tpu.memory_space<hbm>> -> memref<1000000x64xf32, #tpu.memory_space<hbm>>
      tpu.wait_indirect_dma semaphore(%arg10 : memref<!tpu.dma_semaphore, #tpu.memory_space<semaphore_mem>>) src(%dma_wait3A_46 : memref<1000000x64xf32, #tpu.memory_space<hbm>>) dst(%arg6 : memref<256x64xf32, #tpu.memory_space<vmem>>)
      %mul3A_47 = arith.constant 256 : i32
      %mul3A_48 = arith.muli %add3A_41, %mul3A_47 : i32
      %add3A_49 = arith.addi %mul3A_2, %mul3A_48 : i32
      %dma_start3A_50 = arith.constant 0 : i32
      %dma_start3A_51 = tpu.memref_slice %arg4[%add3A_49, %dma_start3A_50] : memref<819200x128xf32, #tpu.memory_space<hbm>> -> memref<256x64xf32, #tpu.memory_space<hbm>>
      %dma_start3A_52 = arith.constant 0 : i32
      %dma_start3A_53 = tpu.memref_slice %arg4[%add3A_49, %dma_start3A_52] : memref<819200x128xf32, #tpu.memory_space<hbm>> -> memref<256x64xf32, #tpu.memory_space<hbm>>
      tpu.enqueue_dma source(%arg6 : memref<256x64xf32, #tpu.memory_space<vmem>>) target(%dma_start3A_53 : memref<256x64xf32, #tpu.memory_space<hbm>>) target_semaphore(%arg14 : memref<!tpu.dma_semaphore, #tpu.memory_space<semaphore_mem>>)
      %mul3A_54 = arith.constant 4 : i32
      %mul3A_55 = arith.muli %scan3A_36, %mul3A_54 : i32
      %add3A_56 = arith.constant 1 : i32
      %add3A_57 = arith.addi %mul3A_55, %add3A_56 : i32
      %dma_wait3A_58 = arith.constant 0 : i32
      %dma_wait3A_59 = tpu.memref_slice %arg5[%add3A_57, %dma_wait3A_58] : memref<100x256xi32, #tpu.memory_space<vmem>> -> memref<1x256xi32, #tpu.memory_space<vmem>>
      %dma_wait3A_60 = tpu.memref_squeeze %dma_wait3A_59 : memref<1x256xi32, #tpu.memory_space<vmem>> -> memref<256xi32, #tpu.memory_space<vmem>>
      %dma_wait3A_61 = arith.constant 0 : i32
      %dma_wait3A_62 = arith.constant 0 : i32
      %dma_wait3A_63 = tpu.memref_slice %arg3[%dma_wait3A_61, %dma_wait3A_62] : memref<1000000x64xf32, #tpu.memory_space<hbm>> -> memref<1000000x64xf32, #tpu.memory_space<hbm>>
      tpu.wait_indirect_dma semaphore(%arg11 : memref<!tpu.dma_semaphore, #tpu.memory_space<semaphore_mem>>) src(%dma_wait3A_63 : memref<1000000x64xf32, #tpu.memory_space<hbm>>) dst(%arg7 : memref<256x64xf32, #tpu.memory_space<vmem>>)
      %mul3A_64 = arith.constant 256 : i32
      %mul3A_65 = arith.muli %add3A_57, %mul3A_64 : i32
      %add3A_66 = arith.addi %mul3A_2, %mul3A_65 : i32
      %dma_start3A_67 = arith.constant 0 : i32
      %dma_start3A_68 = tpu.memref_slice %arg4[%add3A_66, %dma_start3A_67] : memref<819200x128xf32, #tpu.memory_space<hbm>> -> memref<256x64xf32, #tpu.memory_space<hbm>>
      %dma_start3A_69 = arith.constant 0 : i32
      %dma_start3A_70 = tpu.memref_slice %arg4[%add3A_66, %dma_start3A_69] : memref<819200x128xf32, #tpu.memory_space<hbm>> -> memref<256x64xf32, #tpu.memory_space<hbm>>
      tpu.enqueue_dma source(%arg7 : memref<256x64xf32, #tpu.memory_space<vmem>>) target(%dma_start3A_70 : memref<256x64xf32, #tpu.memory_space<hbm>>) target_semaphore(%arg15 : memref<!tpu.dma_semaphore, #tpu.memory_space<semaphore_mem>>)
      %mul3A_71 = arith.constant 4 : i32
      %mul3A_72 = arith.muli %scan3A_36, %mul3A_71 : i32
      %add3A_73 = arith.constant 2 : i32
      %add3A_74 = arith.addi %mul3A_72, %add3A_73 : i32
      %dma_wait3A_75 = arith.constant 0 : i32
      %dma_wait3A_76 = tpu.memref_slice %arg5[%add3A_74, %dma_wait3A_75] : memref<100x256xi32, #tpu.memory_space<vmem>> -> memref<1x256xi32, #tpu.memory_space<vmem>>
      %dma_wait3A_77 = tpu.memref_squeeze %dma_wait3A_76 : memref<1x256xi32, #tpu.memory_space<vmem>> -> memref<256xi32, #tpu.memory_space<vmem>>
      %dma_wait3A_78 = arith.constant 0 : i32
      %dma_wait3A_79 = arith.constant 0 : i32
      %dma_wait3A_80 = tpu.memref_slice %arg3[%dma_wait3A_78, %dma_wait3A_79] : memref<1000000x64xf32, #tpu.memory_space<hbm>> -> memref<1000000x64xf32, #tpu.memory_space<hbm>>
      tpu.wait_indirect_dma semaphore(%arg12 : memref<!tpu.dma_semaphore, #tpu.memory_space<semaphore_mem>>) src(%dma_wait3A_80 : memref<1000000x64xf32, #tpu.memory_space<hbm>>) dst(%arg8 : memref<256x64xf32, #tpu.memory_space<vmem>>)
      %mul3A_81 = arith.constant 256 : i32
      %mul3A_82 = arith.muli %add3A_74, %mul3A_81 : i32
      %add3A_83 = arith.addi %mul3A_2, %mul3A_82 : i32
      %dma_start3A_84 = arith.constant 0 : i32
      %dma_start3A_85 = tpu.memref_slice %arg4[%add3A_83, %dma_start3A_84] : memref<819200x128xf32, #tpu.memory_space<hbm>> -> memref<256x64xf32, #tpu.memory_space<hbm>>
      %dma_start3A_86 = arith.constant 0 : i32
      %dma_start3A_87 = tpu.memref_slice %arg4[%add3A_83, %dma_start3A_86] : memref<819200x128xf32, #tpu.memory_space<hbm>> -> memref<256x64xf32, #tpu.memory_space<hbm>>
      tpu.enqueue_dma source(%arg8 : memref<256x64xf32, #tpu.memory_space<vmem>>) target(%dma_start3A_87 : memref<256x64xf32, #tpu.memory_space<hbm>>) target_semaphore(%arg16 : memref<!tpu.dma_semaphore, #tpu.memory_space<semaphore_mem>>)
      %mul3A_88 = arith.constant 4 : i32
      %mul3A_89 = arith.muli %scan3A_36, %mul3A_88 : i32
      %add3A_90 = arith.constant 3 : i32
      %add3A_91 = arith.addi %mul3A_89, %add3A_90 : i32
      %dma_wait3A_92 = arith.constant 0 : i32
      %dma_wait3A_93 = tpu.memref_slice %arg5[%add3A_91, %dma_wait3A_92] : memref<100x256xi32, #tpu.memory_space<vmem>> -> memref<1x256xi32, #tpu.memory_space<vmem>>
      %dma_wait3A_94 = tpu.memref_squeeze %dma_wait3A_93 : memref<1x256xi32, #tpu.memory_space<vmem>> -> memref<256xi32, #tpu.memory_space<vmem>>
      %dma_wait3A_95 = arith.constant 0 : i32
      %dma_wait3A_96 = arith.constant 0 : i32
      %dma_wait3A_97 = tpu.memref_slice %arg3[%dma_wait3A_95, %dma_wait3A_96] : memref<1000000x64xf32, #tpu.memory_space<hbm>> -> memref<1000000x64xf32, #tpu.memory_space<hbm>>
      tpu.wait_indirect_dma semaphore(%arg13 : memref<!tpu.dma_semaphore, #tpu.memory_space<semaphore_mem>>) src(%dma_wait3A_97 : memref<1000000x64xf32, #tpu.memory_space<hbm>>) dst(%arg9 : memref<256x64xf32, #tpu.memory_space<vmem>>)
      %mul3A_98 = arith.constant 256 : i32
      %mul3A_99 = arith.muli %add3A_91, %mul3A_98 : i32
      %add3A_100 = arith.addi %mul3A_2, %mul3A_99 : i32
      %dma_start3A_101 = arith.constant 0 : i32
      %dma_start3A_102 = tpu.memref_slice %arg4[%add3A_100, %dma_start3A_101] : memref<819200x128xf32, #tpu.memory_space<hbm>> -> memref<256x64xf32, #tpu.memory_space<hbm>>
      %dma_start3A_103 = arith.constant 0 : i32
      %dma_start3A_104 = tpu.memref_slice %arg4[%add3A_100, %dma_start3A_103] : memref<819200x128xf32, #tpu.memory_space<hbm>> -> memref<256x64xf32, #tpu.memory_space<hbm>>
      tpu.enqueue_dma source(%arg9 : memref<256x64xf32, #tpu.memory_space<vmem>>) target(%dma_start3A_104 : memref<256x64xf32, #tpu.memory_space<hbm>>) target_semaphore(%arg17 : memref<!tpu.dma_semaphore, #tpu.memory_space<semaphore_mem>>)
      %mul3A_105 = arith.constant 4 : i32
      %mul3A_106 = arith.muli %scan3A_36, %mul3A_105 : i32
      %add3A_107 = arith.constant 0 : i32
      %add3A_108 = arith.addi %mul3A_106, %add3A_107 : i32
      %mul3A_109 = arith.constant 256 : i32
      %mul3A_110 = arith.muli %add3A_108, %mul3A_109 : i32
      %add3A_111 = arith.addi %mul3A_2, %mul3A_110 : i32
      %dma_wait3A_112 = arith.constant 0 : i32
      %dma_wait3A_113 = tpu.memref_slice %arg4[%add3A_111, %dma_wait3A_112] : memref<819200x128xf32, #tpu.memory_space<hbm>> -> memref<256x64xf32, #tpu.memory_space<hbm>>
      %dma_wait3A_114 = arith.constant 0 : i32
      %dma_wait3A_115 = tpu.memref_slice %arg4[%add3A_111, %dma_wait3A_114] : memref<819200x128xf32, #tpu.memory_space<hbm>> -> memref<256x64xf32, #tpu.memory_space<hbm>>
      tpu.wait_dma2 semaphore(%arg14 : memref<!tpu.dma_semaphore, #tpu.memory_space<semaphore_mem>>) src(%arg6 : memref<256x64xf32, #tpu.memory_space<vmem>>) dst(%dma_wait3A_115 : memref<256x64xf32, #tpu.memory_space<hbm>>)
      %add3A_116 = arith.constant 1 : i32
      %add3A_117 = arith.addi %scan3A_36, %add3A_116 : i32
      %lt3A = arith.constant 25 : i32
      %lt3A_118 = arith.cmpi slt, %add3A_117, %lt3A : i32
      %convert_element_type3A = arith.extui %lt3A_118 : i1 to i32
      %cond3A = arith.constant 0 : i32
      %cond3A_119 = arith.cmpi ne, %convert_element_type3A, %cond3A : i32
      scf.if %cond3A_119 {
        %add3A_175 = arith.constant 4 : i32
        %add3A_176 = arith.addi %add3A_108, %add3A_175 : i32
        %dma_start3A_177 = arith.constant 0 : i32
        %dma_start3A_178 = tpu.memref_slice %arg5[%add3A_176, %dma_start3A_177] : memref<100x256xi32, #tpu.memory_space<vmem>> -> memref<1x256xi32, #tpu.memory_space<vmem>>
        %dma_start3A_179 = tpu.memref_squeeze %dma_start3A_178 : memref<1x256xi32, #tpu.memory_space<vmem>> -> memref<256xi32, #tpu.memory_space<vmem>>
        %dma_start3A_180 = arith.constant 0 : i32
        %dma_start3A_181 = arith.constant 0 : i32
        %dma_start3A_182 = tpu.memref_slice %arg3[%dma_start3A_180, %dma_start3A_181] : memref<1000000x64xf32, #tpu.memory_space<hbm>> -> memref<1000000x64xf32, #tpu.memory_space<hbm>>
        tpu.enqueue_indirect_dma source(%dma_start3A_182 : memref<1000000x64xf32, #tpu.memory_space<hbm>>) target(%arg6 : memref<256x64xf32, #tpu.memory_space<vmem>>) offsets(%dma_start3A_179 : memref<256xi32, #tpu.memory_space<vmem>>) semaphore(%arg10 : memref<!tpu.dma_semaphore, #tpu.memory_space<semaphore_mem>>)
      } else {
      }
      %mul3A_120 = arith.constant 4 : i32
      %mul3A_121 = arith.muli %scan3A_36, %mul3A_120 : i32
      %add3A_122 = arith.constant 1 : i32
      %add3A_123 = arith.addi %mul3A_121, %add3A_122 : i32
      %mul3A_124 = arith.constant 256 : i32
      %mul3A_125 = arith.muli %add3A_123, %mul3A_124 : i32
      %add3A_126 = arith.addi %mul3A_2, %mul3A_125 : i32
      %dma_wait3A_127 = arith.constant 0 : i32
      %dma_wait3A_128 = tpu.memref_slice %arg4[%add3A_126, %dma_wait3A_127] : memref<819200x128xf32, #tpu.memory_space<hbm>> -> memref<256x64xf32, #tpu.memory_space<hbm>>
      %dma_wait3A_129 = arith.constant 0 : i32
      %dma_wait3A_130 = tpu.memref_slice %arg4[%add3A_126, %dma_wait3A_129] : memref<819200x128xf32, #tpu.memory_space<hbm>> -> memref<256x64xf32, #tpu.memory_space<hbm>>
      tpu.wait_dma2 semaphore(%arg15 : memref<!tpu.dma_semaphore, #tpu.memory_space<semaphore_mem>>) src(%arg7 : memref<256x64xf32, #tpu.memory_space<vmem>>) dst(%dma_wait3A_130 : memref<256x64xf32, #tpu.memory_space<hbm>>)
      %add3A_131 = arith.constant 1 : i32
      %add3A_132 = arith.addi %scan3A_36, %add3A_131 : i32
      %lt3A_133 = arith.constant 25 : i32
      %lt3A_134 = arith.cmpi slt, %add3A_132, %lt3A_133 : i32
      %convert_element_type3A_135 = arith.extui %lt3A_134 : i1 to i32
      %cond3A_136 = arith.constant 0 : i32
      %cond3A_137 = arith.cmpi ne, %convert_element_type3A_135, %cond3A_136 : i32
      scf.if %cond3A_137 {
        %add3A_175 = arith.constant 4 : i32
        %add3A_176 = arith.addi %add3A_123, %add3A_175 : i32
        %dma_start3A_177 = arith.constant 0 : i32
        %dma_start3A_178 = tpu.memref_slice %arg5[%add3A_176, %dma_start3A_177] : memref<100x256xi32, #tpu.memory_space<vmem>> -> memref<1x256xi32, #tpu.memory_space<vmem>>
        %dma_start3A_179 = tpu.memref_squeeze %dma_start3A_178 : memref<1x256xi32, #tpu.memory_space<vmem>> -> memref<256xi32, #tpu.memory_space<vmem>>
        %dma_start3A_180 = arith.constant 0 : i32
        %dma_start3A_181 = arith.constant 0 : i32
        %dma_start3A_182 = tpu.memref_slice %arg3[%dma_start3A_180, %dma_start3A_181] : memref<1000000x64xf32, #tpu.memory_space<hbm>> -> memref<1000000x64xf32, #tpu.memory_space<hbm>>
        tpu.enqueue_indirect_dma source(%dma_start3A_182 : memref<1000000x64xf32, #tpu.memory_space<hbm>>) target(%arg7 : memref<256x64xf32, #tpu.memory_space<vmem>>) offsets(%dma_start3A_179 : memref<256xi32, #tpu.memory_space<vmem>>) semaphore(%arg11 : memref<!tpu.dma_semaphore, #tpu.memory_space<semaphore_mem>>)
      } else {
      }
      %mul3A_138 = arith.constant 4 : i32
      %mul3A_139 = arith.muli %scan3A_36, %mul3A_138 : i32
      %add3A_140 = arith.constant 2 : i32
      %add3A_141 = arith.addi %mul3A_139, %add3A_140 : i32
      %mul3A_142 = arith.constant 256 : i32
      %mul3A_143 = arith.muli %add3A_141, %mul3A_142 : i32
      %add3A_144 = arith.addi %mul3A_2, %mul3A_143 : i32
      %dma_wait3A_145 = arith.constant 0 : i32
      %dma_wait3A_146 = tpu.memref_slice %arg4[%add3A_144, %dma_wait3A_145] : memref<819200x128xf32, #tpu.memory_space<hbm>> -> memref<256x64xf32, #tpu.memory_space<hbm>>
      %dma_wait3A_147 = arith.constant 0 : i32
      %dma_wait3A_148 = tpu.memref_slice %arg4[%add3A_144, %dma_wait3A_147] : memref<819200x128xf32, #tpu.memory_space<hbm>> -> memref<256x64xf32, #tpu.memory_space<hbm>>
      tpu.wait_dma2 semaphore(%arg16 : memref<!tpu.dma_semaphore, #tpu.memory_space<semaphore_mem>>) src(%arg8 : memref<256x64xf32, #tpu.memory_space<vmem>>) dst(%dma_wait3A_148 : memref<256x64xf32, #tpu.memory_space<hbm>>)
      %add3A_149 = arith.constant 1 : i32
      %add3A_150 = arith.addi %scan3A_36, %add3A_149 : i32
      %lt3A_151 = arith.constant 25 : i32
      %lt3A_152 = arith.cmpi slt, %add3A_150, %lt3A_151 : i32
      %convert_element_type3A_153 = arith.extui %lt3A_152 : i1 to i32
      %cond3A_154 = arith.constant 0 : i32
      %cond3A_155 = arith.cmpi ne, %convert_element_type3A_153, %cond3A_154 : i32
      scf.if %cond3A_155 {
        %add3A_175 = arith.constant 4 : i32
        %add3A_176 = arith.addi %add3A_141, %add3A_175 : i32
        %dma_start3A_177 = arith.constant 0 : i32
        %dma_start3A_178 = tpu.memref_slice %arg5[%add3A_176, %dma_start3A_177] : memref<100x256xi32, #tpu.memory_space<vmem>> -> memref<1x256xi32, #tpu.memory_space<vmem>>
        %dma_start3A_179 = tpu.memref_squeeze %dma_start3A_178 : memref<1x256xi32, #tpu.memory_space<vmem>> -> memref<256xi32, #tpu.memory_space<vmem>>
        %dma_start3A_180 = arith.constant 0 : i32
        %dma_start3A_181 = arith.constant 0 : i32
        %dma_start3A_182 = tpu.memref_slice %arg3[%dma_start3A_180, %dma_start3A_181] : memref<1000000x64xf32, #tpu.memory_space<hbm>> -> memref<1000000x64xf32, #tpu.memory_space<hbm>>
        tpu.enqueue_indirect_dma source(%dma_start3A_182 : memref<1000000x64xf32, #tpu.memory_space<hbm>>) target(%arg8 : memref<256x64xf32, #tpu.memory_space<vmem>>) offsets(%dma_start3A_179 : memref<256xi32, #tpu.memory_space<vmem>>) semaphore(%arg12 : memref<!tpu.dma_semaphore, #tpu.memory_space<semaphore_mem>>)
      } else {
      }
      %mul3A_156 = arith.constant 4 : i32
      %mul3A_157 = arith.muli %scan3A_36, %mul3A_156 : i32
      %add3A_158 = arith.constant 3 : i32
      %add3A_159 = arith.addi %mul3A_157, %add3A_158 : i32
      %mul3A_160 = arith.constant 256 : i32
      %mul3A_161 = arith.muli %add3A_159, %mul3A_160 : i32
      %add3A_162 = arith.addi %mul3A_2, %mul3A_161 : i32
      %dma_wait3A_163 = arith.constant 0 : i32
      %dma_wait3A_164 = tpu.memref_slice %arg4[%add3A_162, %dma_wait3A_163] : memref<819200x128xf32, #tpu.memory_space<hbm>> -> memref<256x64xf32, #tpu.memory_space<hbm>>
      %dma_wait3A_165 = arith.constant 0 : i32
      %dma_wait3A_166 = tpu.memref_slice %arg4[%add3A_162, %dma_wait3A_165] : memref<819200x128xf32, #tpu.memory_space<hbm>> -> memref<256x64xf32, #tpu.memory_space<hbm>>
      tpu.wait_dma2 semaphore(%arg17 : memref<!tpu.dma_semaphore, #tpu.memory_space<semaphore_mem>>) src(%arg9 : memref<256x64xf32, #tpu.memory_space<vmem>>) dst(%dma_wait3A_166 : memref<256x64xf32, #tpu.memory_space<hbm>>)
      %add3A_167 = arith.constant 1 : i32
      %add3A_168 = arith.addi %scan3A_36, %add3A_167 : i32
      %lt3A_169 = arith.constant 25 : i32
      %lt3A_170 = arith.cmpi slt, %add3A_168, %lt3A_169 : i32
      %convert_element_type3A_171 = arith.extui %lt3A_170 : i1 to i32
      %cond3A_172 = arith.constant 0 : i32
      %cond3A_173 = arith.cmpi ne, %convert_element_type3A_171, %cond3A_172 : i32
      scf.if %cond3A_173 {
        %add3A_175 = arith.constant 4 : i32
        %add3A_176 = arith.addi %add3A_159, %add3A_175 : i32
        %dma_start3A_177 = arith.constant 0 : i32
        %dma_start3A_178 = tpu.memref_slice %arg5[%add3A_176, %dma_start3A_177] : memref<100x256xi32, #tpu.memory_space<vmem>> -> memref<1x256xi32, #tpu.memory_space<vmem>>
        %dma_start3A_179 = tpu.memref_squeeze %dma_start3A_178 : memref<1x256xi32, #tpu.memory_space<vmem>> -> memref<256xi32, #tpu.memory_space<vmem>>
        %dma_start3A_180 = arith.constant 0 : i32
        %dma_start3A_181 = arith.constant 0 : i32
        %dma_start3A_182 = tpu.memref_slice %arg3[%dma_start3A_180, %dma_start3A_181] : memref<1000000x64xf32, #tpu.memory_space<hbm>> -> memref<1000000x64xf32, #tpu.memory_space<hbm>>
        tpu.enqueue_indirect_dma source(%dma_start3A_182 : memref<1000000x64xf32, #tpu.memory_space<hbm>>) target(%arg9 : memref<256x64xf32, #tpu.memory_space<vmem>>) offsets(%dma_start3A_179 : memref<256xi32, #tpu.memory_space<vmem>>) semaphore(%arg13 : memref<!tpu.dma_semaphore, #tpu.memory_space<semaphore_mem>>)
      } else {
      }
      %scan3A_174 = arith.constant 0 : i32
      scf.yield %scan3A_174 : i32
    }
    %scan3A_35 = arith.constant 25 : i32
    return
  }
}

</mosaic_0001>

<sc_bundles>
// kernel: _lookup.3.cloned.1.call-start
scs
__scs_entry_jumppad:
0x0: {  	(pc) =	sbr.rel $0x88, $3  }
0x1: {  	(tag) =	ssettag $0x0;
	lr =	simm.s32 $0x1  }
0x2: {  	[smem:$0x3F9F] =	sst lr;
	_ =	strace $0xD0000000  }
0x3: {  	_ = 	snop  }
0x4: {  	_ = 	snop  }
0x5: {  	_ = 	snop  }
0x6: {  	_ = 	snop  }
0x7: {  	_ = 	snop  }
__scs_overlays_trampoline_lowered:
0x8: {  	[smem:$0x3FAE] =	sst s0  }
0x9: {  	[smem:$0x3FAF] =	sst s1  }
0xa: {  	[smem:$0x3FB0] =	sst s2  }
0xb: {  	[smem:$0x3FB1] =	sst s3  }
0xc: {  	[smem:$0x3FB2] =	sst s4  }
0xd: {  	[smem:$0x3FB3] =	sst s5  }
0xe: {  	[smem:$0x3FB4] =	sst s6  }
0xf: {  	[smem:$0x3FB5] =	sst s7  }
0x10: {  	[smem:$0x3FB6] =	sst s8  }
0x11: {  	[smem:$0x3FB7] =	sst s9;
	s0 =	simm.s32 @!p0 $0x0  }
0x12: {  	s1 =	sld [smem:$0x3F9D];
	s0 =	simm.s32 @p0 $0x1  }
0x13: {  	[smem:$0x3FB8] =	sst s0;
	s0 =	simm.s32 @!p1 $0x0  }
0x14: {  	s2 =	sld [smem:$0x3F9C];
	s0 =	simm.s32 @p1 $0x1  }
0x15: {  	[smem:$0x3FB9] =	sst s0;
	s0 =	simm.s32 @!p2 $0x0  }
0x16: {  	s3 =	sld [smem:$0x3FDB];
	s0 =	simm.s32 @p2 $0x1  }
0x17: {  	s4 =	simm.s32 $0x1BF5;
	[smem:$0x3FBB] =	sst s0  }
0x18: {  	s0 =	sld [smem:$0x3F9E];
	_ =	swait.ge [sflag:s4], $0x0  }
0x19: {  	s7 =	sld [smem:$0x3F9F]  }
0x1a: {  	s8 =	sadd.s32 $0xFFFFE003, lr  }
0x1b: {  	s9 =	sadd.s32 $0xFFFFFEF7, lr;
	s5 =	simm.s32 $0xFFFFFFFF;
	p2 =	slt.u32 s8, $0xFFFFF086  }
0x1c: {  	p1 =	slt.u32 s9, $0xF7A;
	s5 =	simm.s32 @!p2 $0x0  }
0x1d: {  	s5 =	simm.s32 @p1 $0x1;
	p0 =	seq.s32 s7, s2  }
0x1e: {  	s7 =	smul.u32 @!p0 $0xF7A, s2;
	p2 =	seq.s32 @!p0 s5, $0x0  }
0x1f: {  	s9 =	smul.u32 $0xF7A, s1;
	s8 =	simm.s32 @!p0 $0x1BF5;
	p2 =	por !p2, p0  }
0x20: {  	[sflag:s8] =	ssyncset.s32 @!p0 $0xFFFFF086;
	s6 =	sadd.s32 @!p0 s3, s7;
	s7 =	simm.s32 @!p0 $0x108  }
0x21: {  	s3 =	sadd.s32 s3, s9;
	s6 =	sadd.s32 @!p0 $0x88, s6;
	s7 =	simm.s32 @p2 $0x1082  }
0x22: {  	[simem:s7], [sflag:s8] =	dma.local @!p0 [hbm:s6], $0xF7A  }
0x23: {  	s9 =	sor.u32 $0xD0000000, s2;
	s6 =	simm.s32 $0x108;
	_ =	swait.ge @!p0 [sflag:s8], $0x0  }
0x24: {  	s3 =	sadd.s32 $0x88, s3;
	s6 =	simm.s32 @!p1 $0x1082;
	[sflag:s4] =	ssyncset.s32 $0xFFFFF086  }
0x25: {  	[simem:s6], [sflag:s4] =	dma.local [hbm:s3], $0xF7A  }
0x26: {  	[smem:$0x3F9F] =	sst s1;
	(tag) =	ssettag s2;
	_ =	strace s9  }
0x27: {  	s1 =	sld [smem:$0x3FAF]  }
0x28: {  	s2 =	sld [smem:$0x3FB0]  }
0x29: {  	s4 =	sld [smem:$0x3FB2]  }
0x2a: {  	p0 =	seq.s32 s5, $0x0;
	s5 =	sld [smem:$0x3FB3]  }
0x2b: {  	s6 =	sld [smem:$0x3FB4]  }
0x2c: {  	s7 =	sld [smem:$0x3FB5]  }
0x2d: {  	s3 =	simm.s32 $0x108;
	s8 =	sld [smem:$0x3FB6]  }
0x2e: {  	s3 =	simm.s32 @!p0 $0x1082;
	s9 =	sld [smem:$0x3FB7]  }
0x2f: {  	lr =	sadd.s32 s0, s3;
	s0 =	sld [smem:$0x3FAE]  }
0x30: {  	s3 =	sld [smem:$0x3FB1]  }
0x31: {  	[smem:$0x3FBA] =	sst s10  }
0x32: {  	s10 =	sld [smem:$0x3FB8];
	_ =	sdelay $0x3  }
0x33: {  	p0 =	seq.s32 s10, $0x1;
	s10 =	sld [smem:$0x3FBA];
	_ =	sdelay $0x3  }
0x34: {  	[smem:$0x3FBA] =	sst s10  }
0x35: {  	s10 =	sld [smem:$0x3FB9];
	_ =	sdelay $0x3  }
0x36: {  	p1 =	seq.s32 s10, $0x1;
	s10 =	sld [smem:$0x3FBA];
	_ =	sdelay $0x3  }
0x37: {  	[smem:$0x3FBA] =	sst s10  }
0x38: {  	s10 =	sld [smem:$0x3FBB]  }
0x39: {  	_ = 	snop;
	(pc) =	sbr.ind lr, $3  }
0x3a: {  	_ = 	snop  }
0x3b: {  	_ = 	snop  }
0x3c: {  	p2 =	seq.s32 s10, $0x1;
	s10 =	sld [smem:$0x3FBA]  }
0x3d: {  	_ =	shalt  }
0x3e: {  	_ =	shalt  }
0x3f: {  	_ =	shalt  }
0x40: {  	_ =	shalt  }
0x41: {  	_ =	shalt  }
0x42: {  	_ =	shalt  }
0x43: {  	_ =	shalt  }
0x44: {  	_ =	shalt  }
0x45: {  	_ =	shalt  }
0x46: {  	_ =	shalt  }
0x47: {  	_ =	shalt  }
0x48: {  	_ =	shalt  }
0x49: {  	_ =	shalt  }
0x4a: {  	_ =	shalt  }
0x4b: {  	_ =	shalt  }
0x4c: {  	_ =	shalt  }
0x4d: {  	_ =	shalt  }
0x4e: {  	_ =	shalt  }
0x4f: {  	_ =	shalt  }
0x50: {  	_ =	shalt  }
0x51: {  	_ =	shalt  }
0x52: {  	_ =	shalt  }
0x53: {  	_ =	shalt  }
0x54: {  	_ =	shalt  }
0x55: {  	_ =	shalt  }
0x56: {  	_ =	shalt  }
0x57: {  	_ =	shalt  }
0x58: {  	_ =	shalt  }
0x59: {  	_ =	shalt  }
0x5a: {  	_ =	shalt  }
0x5b: {  	_ =	shalt  }
0x5c: {  	_ =	shalt  }
0x5d: {  	_ =	shalt  }
0x5e: {  	_ =	shalt  }
0x5f: {  	_ =	shalt  }
0x60: {  	_ =	shalt  }
0x61: {  	_ =	shalt  }
0x62: {  	_ =	shalt  }
0x63: {  	_ =	shalt  }
0x64: {  	_ =	shalt  }
0x65: {  	_ =	shalt  }
0x66: {  	_ =	shalt  }
0x67: {  	_ =	shalt  }
0x68: {  	_ =	shalt  }
0x69: {  	_ =	shalt  }
0x6a: {  	_ =	shalt  }
0x6b: {  	_ =	shalt  }
0x6c: {  	_ =	shalt  }
0x6d: {  	_ =	shalt  }
0x6e: {  	_ =	shalt  }
0x6f: {  	_ =	shalt  }
0x70: {  	_ =	shalt  }
0x71: {  	_ =	shalt  }
0x72: {  	_ =	shalt  }
0x73: {  	_ =	shalt  }
0x74: {  	_ =	shalt  }
0x75: {  	_ =	shalt  }
0x76: {  	_ =	shalt  }
0x77: {  	_ =	shalt  }
0x78: {  	_ =	shalt  }
0x79: {  	_ =	shalt  }
0x7a: {  	_ =	shalt  }
0x7b: {  	_ =	shalt  }
0x7c: {  	_ =	shalt  }
0x7d: {  	_ =	shalt  }
0x7e: {  	_ =	shalt  }
0x7f: {  	_ =	shalt  }
0x80: {  	_ =	shalt  }
0x81: {  	_ =	shalt  }
0x82: {  	_ =	shalt  }
0x83: {  	_ =	shalt  }
0x84: {  	_ =	shalt  }
0x85: {  	_ =	shalt  }
0x86: {  	_ =	shalt  }
0x87: {  	_ =	shalt  }
.Lfunc_end0:
.L_simem_size_0:
called_computation.1_lowered:
.L_overlay_start_0:
0x88: {  	s2 =	sld [smem:$0x3FD9]  }
0x89: {  	s3 =	sld [smem:$0x3FFE];
	_ =	sdelay $0x1  }
0x8a: {  	s1 =	srdreg.scid  }
0x8b: {  	s0 =	sand.u32 $0x1, s1  }
0x8c: {  	s17 =	sshll.u32 s0, $0xA;
	s2 =	sadd.s32 s3, s2  }
0x8d: {  	s2 =	sadd.s32 s2, s17  }
0x8e: {  	[smem:$0x3FC6] =	sst s2  }
0x8f: {  	_ = 	snop  }
0x90: {  	s2 =	sld [smem:$0x3FC9];
	(tm) =	ssettm $0x1  }
0x91: {  	s18 =	sld [smem:$0x3FFB];
	_ =	sdelay $0x3  }
0x92: {  	_ =	strace s18  }
0x93: {  	s3 =	sld [smem:$0x3FFC];
	_ =	sdelay $0x3  }
0x94: {  	_ =	strace s3  }
0x95: {  	s3 =	sld [smem:$0x3FFD];
	_ =	sdelay $0x3  }
0x96: {  	_ =	strace s3  }
0x97: {  	_ =	strace $0x8FFFFFFF  }
0x98: {  	s19 =	sld [smem:$0x3FDB];
	_ =	sdelay $0x1  }
0x99: {  	s4 =	simm.s32 $_scs_section_size  }
0x9a: {  	s5 =	simm.s32 $_size__tile_overlayer_lowered;
	s6 =	simm.s32 $_tile_overlayer_lowered  }
0x9b: {  	s22 =	simm.s32 $0x1BFF;
	s21 =	sshll.u32 s6, $0x1;
	s3 =	sadd.s32 s4, s19  }
0x9c: {  	s7 =	simm.s32 $0x0;
	s20 =	sshll.u32 s5, $0x1;
	s5 =	sadd.s32 s21, s3  }
0x9d: {  	[timem:s7], [sflag:s22] =	dma.local [hbm:s5], s20  }
0x9e: {  	_ =	swait.ge [sflag:s22], s20  }
0x9f: {  	s4 =	ssub.s32 $0x0, s20;
	[sflag:s22] =	ssyncset.done $0x0  }
0xa0: {  	[sflag:s22] =	ssyncadd.s32 s4;
	_ =	sdelay $0x1  }
0xa1: {  	s23 =	simm.s32 $0x1B8B  }
0xa2: {  	_ =	swait.ge [sflag:s23], $0x1  }
0xa3: {  	[sflag:s23] =	ssyncset.done $0x0  }
0xa4: {  	s25 =	simm.s32 $0x1B8E;
	s24 =	sld [smem:$0x3FFE];
	[sflag:s23] =	ssyncadd.s32 $0xFFFFFFFF  }
0xa5: {  	s26 =	simm.s32 $execute0_lowered;
	[smem:$0x3FD2] =	sst s25  }
0xa6: {  	s5 =	sshll.u32 s26, $0x1;
	_ =	strace $0x80000046;
	[dreg:$0x1] =	wrdreg $0xFFFFFFFF  }
0xa7: {  	s28 =	simm.s32 $_size_execute0_lowered;
	s3 =	sadd.s32 s3, s5;
	[dreg:$0x0] =	wrdreg $0x0  }
0xa8: {  	s5 =	sshll.u32 s28, $0x1;
	[dreg:$0x2] =	wrdreg s3  }
0xa9: {  	[dreg:$0x3] =	wrdreg s5  }
0xaa: {  	[dreg:$0x4] =	wrdreg $0xC0  }
0xab: {  	_ =	task [dreg:s7], $0x5FFFF  }
0xac: {  	[dreg:$0x1] =	wrdreg $0xFFFFFFFF  }
0xad: {  	[dreg:$0x0] =	wrdreg $0x60  }
0xae: {  	[dreg:$0x2] =	wrdreg s2  }
0xaf: {  	[dreg:$0x3] =	wrdreg s24  }
0xb0: {  	[dreg:$0x4] =	wrdreg $0x9  }
0xb1: {  	_ =	task.clear_ibuf [dreg:s7], $0x5FFFF;
	_ =	strace $0x90000046  }
0xb2: {  	s29 =	simm.s32 $0x9;
	_ =	strace $0x80000048  }
0xb3: {  	_ =	swait.ge [sflag:s29], $0x1  }
0xb4: {  	[sflag:s29] =	ssyncadd.s32 $0xFFFFFFFF  }
0xb5: {  	_ =	strace $0x90000048  }
0xb6: {  	_ =	sfence  }
0xb7: {  	s30 =	sld [smem:$0x0];
	_ =	sdelay $0x2  }
0xb8: {  	s31 =	sshll.u32 s1, $0xD;
	s1 =	sshrl.u32 s1, $0x2  }
0xb9: {  	s3 =	sand.u32 $0x4000, s31;
	s1 =	sadd.s32 s1, s30  }
0xba: {  	s0 =	sor.u32 s3, s0;
	s1 =	sshll.u32 s1, $0x11  }
0xbb: {  	s0 =	sor.u32 s1, s0  }
0xbc: {  	s0 =	sadd.s32 $0x8F2B, s0  }
0xbd: {  	[sflag:s0] =	ssyncadd.remote.s32 $0x1  }
0xbe: {  	_ =	sfence.sel $0xFFFF  }
0xbf: {  	[dreg:$0x0] =	wrdreg $0xFFFFFFFF;
	(pc) =	sbr.abs _section_cstart, $3  }
0xc0: {  	[dreg:$0x1] =	wrdreg $0xFFFFFFFF  }
0xc1: {  	_ =	task.clear_ibuf [dreg:s7], $0x2FFFF;
	_ =	strace $0x9FFFFFFF  }
0xc2: {  	(tm) =	ssettm $0x7FFFFFFF  }
0xc3: {  	_ =	shalt  }
tec
execute0_lowered:
.L_overlay_start_1:
0x0: {  	(tag) =	ssettag $0x1  }
0x1: {  	s0 =	srdreg.scid;
	s4 =	rddreg [dreg:$0x0]  }
0x2: {  	s2 =	stileid.u32;
	s5 =	rddreg [dreg:$0x1];
	s3 =	simm.s32 $0x0  }
0x3: {  	s12 =	simm.s32 $0x6400;
	s13 =	simm.s32 $0xA400;
	s15 =	simm.s32 $0xE400  }
0x4: {  	s17 =	simm.s32 $0x12400;
	s18 =	simm.s32 $0x1;
	s19 =	simm.s32 $0x40  }
0x5: {  	s20 =	simm.s32 $0x80;
	s21 =	simm.s32 $0x2;
	s22 =	simm.s32 $0x3  }
0x6: {  	s23 =	simm.s32 $0x4;
	s24 =	simm.s32 $0x5;
	s25 =	simm.s32 $0x6  }
0x7: {  	s26 =	simm.s32 $0x7;
	s28 =	simm.s32 $0x8;
	s29 =	simm.s32 $0x0  }
0x8: {  	s0 =	sand.u32 $0x1, s0;
	s1 =	sshll.u32 s2, $0x1;
	s6 =	smul.u32 $0x640000, s2  }
0x9: {  	[smem:$0x7FF] =	sst s3;
	s7 =	smul.u32 $0xC800, s2;
	s3 =	sadd.s32 $0xF42C00, s5  }
0xa: {  	s11 =	sadd.s32 $0x800, s5;
	s8 =	ssub.s32 $0x2, s0;
	s9 =	smul.u32 $0x6400, s0  }
0xb: {  	s1 =	sor.u32 s0, s1;
	s0 =	smul.u32 $0x320000, s0;
	s10 =	sshrl.u32 s8, $0x1  }
0xc: {  	_ =	strace $0x80000047;
	s1 =	smul.u32 $0x6400, s1;
	s30 =	ssub.s32 s8, s10  }
.Ltmp0:
0xd: {  	s7 =	sadd.s32 s9, s7;
	s0 =	sadd.s32 s0, s6;
	(pc) =	sbr.rel .LBB2_1-.Ltmp0, $4  }
0xe: {  	s10 =	simm.s32 $0x9;
	s1 =	sshrl.u32 s1, $0x3;
	s31 =	sshll.u32 s7, $0x4  }
0xf: {  	s0 =	sshrl.u32 s0, $0x3;
	s5 =	smax.u32 s30, $0x1;
	s4 =	sadd.s32 s4, s1  }
0x10: {  	s6 =	sadd.s32 s31, s11;
	s0 =	sadd.s32 s0, s11;
	s11 =	simm.s32 $0x100  }
0x11: {  	s1 =	sadd.s32 $0x3000, s6;
	s8 =	sadd.s32 $0x2000, s6;
	s9 =	sadd.s32 $0x1000, s6  }
.LBB2_3:
0x12: {  	_ =	swait.ge [sflag:s25], $0x4000  }
0x13: {  	[sflag:s25] =	ssyncset.done $0x0  }
0x14: {  	[sflag:s25] =	ssyncadd.s32 $0xFFFFC000  }
0x15: {  	_ =	swait.ge [sflag:s26], $0x4000  }
0x16: {  	[sflag:s26] =	ssyncset.done $0x0  }
0x17: {  	[sflag:s26] =	ssyncadd.s32 $0xFFFFC000  }
0x18: {  	_ =	swait.ge [sflag:s28], $0x4000  }
0x19: {  	[sflag:s28] =	ssyncset.done $0x0  }
0x1a: {  	[sflag:s28] =	ssyncadd.s32 $0xFFFFC000  }
.LBB2_5:
0x1b: {  	s29 =	sadd.s32 $0x1, s29  }
0x1c: {  	p0 =	sne.s32 s29, s5  }
.Ltmp1:
0x1d: {  	_ = 	snop;
	(pc) =	sbr.rel @!p0 .LBB2_6-.Ltmp1, $1  }
0x1e: {  	_ =	sdelay $0x3  }
.LBB2_1:
0x1f: {  	s2 =	simm.s32 $0x0  }
0x20: {  	[tilespmem:s2], [sflag:$0x9] =	stream.linear.gather [hbm4b:s4+s2], $0x6400, $0x38;
	[tilespmem:$0x16400] =	vst v63  }
0x21: {  	_ =	swait.ge [sflag:s10], $0x6400  }
0x22: {  	[sflag:s10] =	ssyncset.done $0x0  }
0x23: {  	[sflag:s10] =	ssyncadd.s32 $0xFFFF9C00  }
0x24: {  	[tilespmem:s12], [sflag:$0x1] =	stream.indirect.gather [hbm4b:s3+s11], $0x40, s2, s11, $0xb8;
	[tilespmem:$0x16400] =	vst v63  }
0x25: {  	s14 =	simm.s32 $0x200  }
0x26: {  	[tilespmem:s13], [sflag:$0x2] =	stream.indirect.gather [hbm4b:s3+s11], $0x40, s11, s11, $0xb8;
	[tilespmem:$0x16400] =	vst v63  }
0x27: {  	s16 =	simm.s32 $0x300;
	s30 =	smov.u32 s9;
	s31 =	smov.u32 s8  }
0x28: {  	[tilespmem:s15], [sflag:$0x3] =	stream.indirect.gather [hbm4b:s3+s11], $0x40, s14, s11, $0xb8;
	[tilespmem:$0x16400] =	vst v63  }
0x29: {  	s7 =	smov.u32 s1;
	s6 =	smov.u32 s0;
	s14 =	simm.s32 $0x0  }
0x2a: {  	[tilespmem:s17], [sflag:$0x4] =	stream.indirect.gather [hbm4b:s3+s11], $0x40, s16, s11, $0xb8;
	[tilespmem:$0x16400] =	vst v63  }
.LBB2_2:
0x2b: {  	_ =	swait.ge [sflag:s18], $0x4000  }
0x2c: {  	[sflag:s18] =	ssyncset.done $0x0  }
0x2d: {  	[sflag:s18] =	ssyncadd.s32 $0xFFFFC000  }
0x2e: {  	[hbm4b:s6+s19] =	stream.strided.scatter [tilespmem:s12], [sflag:$0x5], $0x4000, s20, s19, $0x38;
	[tilespmem:$0x16400] =	vst v63  }
0x2f: {  	_ =	swait.ge [sflag:s21], $0x4000  }
0x30: {  	[sflag:s21] =	ssyncset.done $0x0  }
0x31: {  	[sflag:s21] =	ssyncadd.s32 $0xFFFFC000  }
0x32: {  	[hbm4b:s30+s19] =	stream.strided.scatter [tilespmem:s13], [sflag:$0x6], $0x4000, s20, s19, $0x38;
	[tilespmem:$0x16400] =	vst v63  }
0x33: {  	_ =	swait.ge [sflag:s22], $0x4000  }
0x34: {  	[sflag:s22] =	ssyncset.done $0x0  }
0x35: {  	[sflag:s22] =	ssyncadd.s32 $0xFFFFC000  }
0x36: {  	[hbm4b:s31+s19] =	stream.strided.scatter [tilespmem:s15], [sflag:$0x7], $0x4000, s20, s19, $0x38;
	[tilespmem:$0x16400] =	vst v63  }
0x37: {  	_ =	swait.ge [sflag:s23], $0x4000  }
0x38: {  	p0 =	sne.s32 s14, $0x18000;
	[sflag:s23] =	ssyncset.done $0x0  }
.Ltmp2:
0x39: {  	[sflag:s23] =	ssyncadd.s32 $0xFFFFC000;
	(pc) =	sbr.rel @!p0 .LBB2_3-.Ltmp2, $4  }
0x3a: {  	[hbm4b:s7+s19] =	stream.strided.scatter [tilespmem:s17], [sflag:$0x8], $0x4000, s20, s19, $0x38;
	[tilespmem:$0x16400] =	vst v63  }
0x3b: {  	_ =	swait.ge [sflag:s24], $0x4000  }
0x3c: {  	[sflag:s24] =	ssyncset.done $0x0  }
0x3d: {  	[sflag:s24] =	ssyncadd.s32 $0xFFFFC000  }
0x3e: {  	s16 =	sshra.s32 s14, $0x2  }
0x3f: {  	s2 =	sadd.s32 $0x400, s16  }
0x40: {  	[tilespmem:s12], [sflag:$0x1] =	stream.indirect.gather [hbm4b:s3+s11], $0x40, s2, s11, $0xb8;
	[tilespmem:$0x16400] =	vst v63  }
0x41: {  	_ =	swait.ge [sflag:s25], $0x4000  }
0x42: {  	[sflag:s25] =	ssyncset.done $0x0  }
0x43: {  	s2 =	sadd.s32 $0x500, s16;
	[sflag:s25] =	ssyncadd.s32 $0xFFFFC000  }
0x44: {  	[tilespmem:s13], [sflag:$0x2] =	stream.indirect.gather [hbm4b:s3+s11], $0x40, s2, s11, $0xb8;
	[tilespmem:$0x16400] =	vst v63  }
0x45: {  	_ =	swait.ge [sflag:s26], $0x4000  }
0x46: {  	s14 =	sadd.s32 $0x1000, s14;
	[sflag:s26] =	ssyncset.done $0x0  }
0x47: {  	p0 =	sne.s32 s14, $0x19000;
	s2 =	sadd.s32 $0x600, s16;
	[sflag:s26] =	ssyncadd.s32 $0xFFFFC000  }
0x48: {  	[tilespmem:s15], [sflag:$0x3] =	stream.indirect.gather [hbm4b:s3+s11], $0x40, s2, s11, $0xb8;
	[tilespmem:$0x16400] =	vst v63  }
.Ltmp3:
0x49: {  	_ = 	snop;
	(pc) =	sbr.rel @p0 .LBB2_2-.Ltmp3, $4  }
.Ltmp4:
0x4a: {  	s6 =	sadd.s32 $0x4000, s6;
	_ =	swait.ge [sflag:s28], $0x4000;
	(pc) =	sbr.rel @!p0 .LBB2_5-.Ltmp4, $4  }
0x4b: {  	s7 =	sadd.s32 $0x4000, s7;
	s31 =	sadd.s32 $0x4000, s31;
	[sflag:s28] =	ssyncset.done $0x0  }
0x4c: {  	s30 =	sadd.s32 $0x4000, s30;
	s16 =	sadd.s32 $0x700, s16;
	[sflag:s28] =	ssyncadd.s32 $0xFFFFC000  }
0x4d: {  	[tilespmem:s17], [sflag:$0x4] =	stream.indirect.gather [hbm4b:s3+s11], $0x40, s16, s11, $0xb8;
	[tilespmem:$0x16400] =	vst v63  }
0x4e: {  	_ = 	snop  }
.LBB2_6:
0x4f: {  	_ =	sfence.sel $0x180000  }
0x50: {  	[bflag:$0x0] =	sbarrier.arrive $0xFFFF  }
0x51: {  	_ =	strace $0x90000047  }
0x52: {  	s0 =	stileid.u32;
	[bflag:$0x2] =	sbarrier.arrive $0xFFFF  }
0x53: {  	p0 =	sne.s32 s0, $0x0;
	s0 =	rddreg [dreg:$0x2]  }
0x54: {  	s0 =	sadd.s32 @!p0 $0x100000, s0  }
0x55: {  	[sflag:s0] =	ssyncadd.tile.s32 @!p0 $0x1;
	_ =	shalt  }
.Lfunc_end2:
_tile_overlayer_lowered:
.L_overlay_start_2:
0x56: {  	(tag) =	ssettag $0x2  }
0x57: {  	s0 =	rddreg [dreg:$0x0];
	s2 =	stileid.u32  }
0x58: {  	s1 =	rddreg [dreg:$0x1];
	p0 =	sne.s32 s2, $0x0  }
0x59: {  	s3 =	rddreg [dreg:$0x2];
	[bflag:$0x3] =	sbarrier.arrive $0xFFFF;
	s2 =	simm.s32 @!p0 $0x1C09  }
0x5a: {  	[timem:s3], [sflag:s2] =	dma.local @!p0 [hbm:s0], s1  }
0x5b: {  	s0 =	simm.s32 @!p0 $0x9  }
0x5c: {  	_ =	swait.ge @!p0 [sflag:s0], s1  }
0x5d: {  	s1 =	ssub.s32 @!p0 $0x0, s1;
	[sflag:s0] =	ssyncset.done @!p0 $0x0  }
0x5e: {  	[sflag:s0] =	ssyncadd.s32 @!p0 s1  }
0x5f: {  	[bflag:$0x3] =	sbarrier.arrive $0xFFFF  }
0x60: {  	_ =	shalt  }

// kernel: sparse-core-data-format-call.cloned.1.call-start
scs
called_computation_lowered:
.L_overlay_start_0:
0x0: {  	s2 =	sld [smem:$0x3FD9]  }
0x1: {  	s3 =	sld [smem:$0x3FFE];
	_ =	sdelay $0x1  }
0x2: {  	s1 =	srdreg.scid  }
0x3: {  	s0 =	sand.u32 $0x1, s1  }
0x4: {  	s18 =	sshll.u32 s0, $0xA;
	s2 =	sadd.s32 s3, s2  }
0x5: {  	s2 =	sadd.s32 s2, s18  }
0x6: {  	[smem:$0x3FC6] =	sst s2  }
0x7: {  	_ = 	snop  }
0x8: {  	s2 =	sld [smem:$0x3FD0];
	(tm) =	ssettm $0x1  }
0x9: {  	s19 =	sld [smem:$0x3FFB];
	_ =	sdelay $0x3  }
0xa: {  	_ =	strace s19  }
0xb: {  	s3 =	sld [smem:$0x3FFC];
	_ =	sdelay $0x3  }
0xc: {  	_ =	strace s3  }
0xd: {  	s3 =	sld [smem:$0x3FFD];
	_ =	sdelay $0x3  }
0xe: {  	_ =	strace s3  }
0xf: {  	_ =	strace $0x8FFFFFFF  }
0x10: {  	s20 =	sld [smem:$0x3FDB];
	_ =	sdelay $0x1  }
0x11: {  	s4 =	simm.s32 $_scs_section_size  }
0x12: {  	s5 =	simm.s32 $_size__tile_overlayer_lowered;
	s6 =	simm.s32 $_tile_overlayer_lowered  }
0x13: {  	s23 =	simm.s32 $0x1BFF;
	s22 =	sshll.u32 s6, $0x1;
	s3 =	sadd.s32 s4, s20  }
0x14: {  	s7 =	simm.s32 $0x0;
	s21 =	sshll.u32 s5, $0x1;
	s5 =	sadd.s32 s22, s3  }
0x15: {  	[timem:s7], [sflag:s23] =	dma.local [hbm:s5], s21  }
0x16: {  	_ =	swait.ge [sflag:s23], s21  }
0x17: {  	s4 =	ssub.s32 $0x0, s21;
	[sflag:s23] =	ssyncset.done $0x0  }
0x18: {  	[sflag:s23] =	ssyncadd.s32 s4;
	_ =	sdelay $0x1  }
0x19: {  	s24 =	simm.s32 $0x1B8B  }
0x1a: {  	_ =	swait.ge [sflag:s24], $0x1  }
0x1b: {  	[sflag:s24] =	ssyncset.done $0x0  }
0x1c: {  	s26 =	simm.s32 $0x1B8E;
	s25 =	sld [smem:$0x3FFE];
	[sflag:s24] =	ssyncadd.s32 $0xFFFFFFFF  }
0x1d: {  	s27 =	simm.s32 $execute0_lowered;
	[smem:$0x3FD2] =	sst s26  }
0x1e: {  	s5 =	sshll.u32 s27, $0x1;
	_ =	strace $0x80000049;
	[dreg:$0x1] =	wrdreg $0xFFFFFFFF  }
0x1f: {  	s28 =	simm.s32 $_size_execute0_lowered;
	s3 =	sadd.s32 s3, s5;
	[dreg:$0x0] =	wrdreg $0x0  }
0x20: {  	s5 =	sshll.u32 s28, $0x1;
	[dreg:$0x2] =	wrdreg s3  }
0x21: {  	[dreg:$0x3] =	wrdreg s5  }
0x22: {  	[dreg:$0x4] =	wrdreg $0xC0  }
0x23: {  	_ =	task [dreg:s7], $0x5FFFF  }
0x24: {  	[dreg:$0x1] =	wrdreg $0xFFFFFFFF  }
0x25: {  	[dreg:$0x0] =	wrdreg $0x60  }
0x26: {  	[dreg:$0x2] =	wrdreg s25  }
0x27: {  	[dreg:$0x3] =	wrdreg s2  }
0x28: {  	[dreg:$0x4] =	wrdreg $0x9  }
0x29: {  	_ =	task.clear_ibuf [dreg:s7], $0x5FFFF;
	_ =	strace $0x90000049  }
0x2a: {  	s29 =	simm.s32 $0x9;
	_ =	strace $0x8000004B  }
0x2b: {  	_ =	swait.ge [sflag:s29], $0x1  }
0x2c: {  	[sflag:s29] =	ssyncadd.s32 $0xFFFFFFFF  }
0x2d: {  	_ =	strace $0x9000004B  }
0x2e: {  	_ =	sfence  }
0x2f: {  	s30 =	sld [smem:$0x0];
	_ =	sdelay $0x2  }
0x30: {  	s31 =	sshll.u32 s1, $0xD;
	s1 =	sshrl.u32 s1, $0x2  }
0x31: {  	s3 =	sand.u32 $0x4000, s31;
	s1 =	sadd.s32 s1, s30  }
0x32: {  	s0 =	sor.u32 s3, s0;
	s1 =	sshll.u32 s1, $0x11  }
0x33: {  	s0 =	sor.u32 s1, s0  }
0x34: {  	s0 =	sadd.s32 $0x8F2B, s0  }
0x35: {  	[sflag:s0] =	ssyncadd.remote.s32 $0x1  }
0x36: {  	_ =	sfence.sel $0xFFFF  }
0x37: {  	[dreg:$0x0] =	wrdreg $0xFFFFFFFF;
	(pc) =	sbr.abs _section_cstart, $3  }
0x38: {  	[dreg:$0x1] =	wrdreg $0xFFFFFFFF  }
0x39: {  	_ =	task.clear_ibuf [dreg:s7], $0x2FFFF;
	_ =	strace $0x9FFFFFFF  }
0x3a: {  	(tm) =	ssettm $0x7FFFFFFF  }
0x3b: {  	_ =	shalt  }
tec
execute0_lowered:
.L_overlay_start_1:
0x0: {  	(tag) =	ssettag $0x1  }
0x1: {  	s0 =	srdreg.scid  }
0x2: {  	s1 =	sshll.u32 s0, $0x4  }
0x3: {  	s4 =	rddreg [dreg:$0x0];
	s0 =	stileid.u32;
	s1 =	sand.u32 $0x10, s1  }
0x4: {  	s2 =	rddreg [dreg:$0x1];
	s7 =	simm.s32 $0x1;
	s1 =	sor.u32 s0, s1  }
0x5: {  	s8 =	simm.s32 $0x2;
	s11 =	simm.s32 $0x0;
	s3 =	sshll.u32 s1, $0x7  }
0x6: {  	s10 =	simm.s32 $0x0;
	s4 =	sadd.s32 $0x800, s4;
	s6 =	ssub.s32 $0xC8000, s3  }
.Ltmp0:
0x7: {  	s1 =	rddreg [dreg:$0x2];
	s5 =	sand.u32 $0xF80, s6;
	(pc) =	sbr.rel .LBB1_1-.Ltmp0, $4  }
0x8: {  	_ =	strace $0x8000004A;
	s9 =	smov.u32 s3;
	p0 =	sne.s32 s5, $0x0  }
0x9: {  	s6 =	sshrl.u32 s6, $0xC;
	s5 =	simm.s32 $0x1;
	s7 =	simm.s32 @!p0 $0x0  }
0xa: {  	[sflag:s5] =	ssyncpa.u1 $0x0;
	p0 =	por $0x0, $0x0;
	s6 =	sadd.s32 s7, s6  }
0xb: {  	[sflag:s8] =	ssyncpa.u1 $0x0;
	s8 =	simm.s32 $0x640000;
	s7 =	sadd.s32 $0x1, s6  }
.LBB1_4:
0xc: {  	s14 =	sshll.u32 s11, $0x3  }
0xd: {  	s30 =	sand.u32 $0x7F, s11;
	s15 =	sand.u32 $0xFFFFFC00, s14  }
0xe: {  	s11 =	sor.u32 s30, s15  }
0xf: {  	s15 =	smulhi.u32 $0x51EB851F, s11  }
0x10: {  	s14 =	smulhi.u32 $0x51EB851F, s14  }
0x11: {  	s15 =	sshrl.u32 s15, $0x12  }
0x12: {  	s14 =	sshrl.u32 s14, $0x12;
	s15 =	smul.u32 $0xC8000, s15  }
0x13: {  	s14 =	sand.u32 $0x3F, s14  }
0x14: {  	s14 =	smul.u32 $0x19000, s14;
	s11 =	ssub.s32 s11, s15  }
0x15: {  	[tilespmem:s13+$0x810 ss:$0x81] =	vst.msk $0xffff, v2;
	s15 =	sand.u32 $0x7, s11  }
0x16: {  	[tilespmem:s13+$0x1020 ss:$0x81] =	vst.msk $0xffff, v0;
	s14 =	sadd.s32 s2, s14;
	s11 =	sshrl.u32 s11, $0x3;
	s15 =	sshll.u32 s15, $0x12  }
0x17: {  	[tilespmem:s13+$0x0 ss:$0x81] =	vst.msk $0xffff, v1;
	s11 =	sadd.s32 s11, s14;
	s31 =	sor.u32 $0x400, s15  }
0x18: {  	[hbm4b:s11+s31] =	stream.strided.scatter [tilespmem:s12], [sflag:$0x2], $0x2000, s8, s31, $0x20;
	[tilespmem:$0x8080] =	vst v63  }
.LBB1_5:
0x19: {  	s13 =	sadd.s32 $0x1000, s9  }
0x1a: {  	p2 =	sgt.s32 s13, $0xC7FFF  }
0x1b: {  	s13 =	smov.u32 @p2 s3;
	p2 =	sne.s32 s10, s7  }
.Ltmp1:
0x1c: {  	p1 =	slt.u32 s10, $0x2;
	(pc) =	sbr.rel @!p2 .LBB1_6-.Ltmp1, $4  }
0x1d: {  	s12 =	simm.s32 @!p1 $0x2  }
0x1e: {  	s14 =	sadd.s32 $0x1, s10;
	_ =	swait.ge @!p1 [sflag:s12], $0x2000  }
0x1f: {  	s11 =	smov.u32 s9;
	p0 =	por !p0, !p0;
	[sflag:s12] =	ssyncset.done @!p1 $0x0  }
0x20: {  	s10 =	smov.u32 s14;
	s9 =	smov.u32 s13;
	[sflag:s12] =	ssyncadd.s32 @!p1 $0xFFFFE000  }
.LBB1_1:
0x21: {  	p1 =	sge.u32 s10, s6  }
0x22: {  	s12 =	sand.u32 @!p1 $0x1FFFFFF, s9  }
0x23: {  	s13 =	smulhi.u32 @!p1 $0x147AE15, s12;
	_ =	sdelay $0x1  }
0x24: {  	s13 =	sshrl.u32 @!p1 s13, $0xC  }
0x25: {  	s13 =	smul.u32 @!p1 $0xC8000, s13;
	_ =	sdelay $0x1  }
0x26: {  	s31 =	sadd.s32 $0xFFFFFFFF, s10;
	s14 =	sxor.u32 @!p1 $0xFFFFFFFF, s10;
	s12 =	ssub.s32 @!p1 s12, s13  }
0x27: {  	s15 =	simm.s32 @!p1 $0x80;
	s14 =	sshll.u32 @!p1 s14, $0xD;
	s12 =	sshll.u32 @!p1 s12, $0x4  }
0x28: {  	s13 =	sand.u32 @!p1 $0x2000, s14;
	s14 =	simm.s32 @!p1 $0x40;
	s12 =	sadd.s32 @!p1 s4, s12  }
0x29: {  	[tilespmem:s13], [sflag:$0x1] =	stream.strided.gather @!p1 [hbm4b:s12+s14], $0x2000, s15, s14, $0x38;
	[tilespmem:$0x8080] =	vst v63  }
0x2a: {  	p1 =	sge.u32 s31, s6  }
.Ltmp2:
0x2b: {  	_ = 	snop;
	(pc) =	sbr.rel @p1 .LBB1_5-.Ltmp2, $1  }
0x2c: {  	_ =	sdelay $0x3  }
0x2d: {  	s12 =	simm.s32 $0x1  }
0x2e: {  	_ =	swait.ge [sflag:s5], $0x2000;
	s12 =	simm.s32 @!p0 $0x0  }
0x2f: {  	[sflag:s5] =	ssyncset.done $0x0;
	s13 =	sshll.u32 s12, $0xD  }
0x30: {  	[sflag:s5] =	ssyncadd.s32 $0xFFFFE000;
	s16 =	sor.u32 $0x20, s13  }
0x31: {  	s12 =	smul.u32 $0x8100, s12;
	v3 =	vld [tilespmem:s16+$0x10]  }
0x32: {  	s30 =	sand.u32 $0x1, s10;
	v2 =	vld [tilespmem:s16+$0xFFFFFFF0]  }
0x33: {  	s13 =	smul.u32 $0x8100, s30;
	s12 =	sshrl.u32 s12, $0x2;
	v0 =	vld [tilespmem:s16+$0x0]  }
0x34: {  	v1 =	vld [tilespmem:s16+$0xFFFFFFE0];
	s14 =	sor.u32 $0x4000, s12  }
0x35: {  	s31 =	sshrl.u32 s13, $0x2;
	s13 =	sadd.s32 $0x0, s14  }
0x36: {  	s15 =	simm.s32 $0x4;
	s16 =	sadd.s32 $0x40, s16;
	s12 =	sor.u32 $0x4000, s31;
	[tilespmem:s13+$0x1830 ss:$0x81] =	vst.msk $0xffff, v3  }
.LBB1_3:
0x37: {  	v3 =	vld [tilespmem:s16+$0x10];
	p1 =	sne.s32 s15, $0x1FC;
	[tilespmem:s13+$0x810 ss:$0x81] =	vst.msk $0xffff, v2;
	s17 =	smov.u32 s15;
	s15 =	sadd.s32 $0x4, s15  }
.Ltmp3:
0x38: {  	v2 =	vld [tilespmem:s16+$0xFFFFFFF0];
	[tilespmem:s13+$0x1020 ss:$0x81] =	vst.msk $0xffff, v0;
	(pc) =	sbr.rel @p1 .LBB1_3-.Ltmp3, $4  }
0x39: {  	v0 =	vld [tilespmem:s16+$0x0];
	[tilespmem:s13+$0x0 ss:$0x81] =	vst.msk $0xffff, v1  }
0x3a: {  	s13 =	sshra.s32 s17, $0x2;
	v1 =	vld [tilespmem:s16+$0xFFFFFFE0]  }
0x3b: {  	s13 =	sadd.s32 s13, s14  }
0x3c: {  	s16 =	sadd.s32 $0x40, s16;
	[tilespmem:s13+$0x1830 ss:$0x81] =	vst.msk $0xffff, v3  }
.Ltmp4:
0x3d: {  	_ = 	snop;
	(pc) =	sbr.rel .LBB1_4-.Ltmp4, $1  }
0x3e: {  	_ =	sdelay $0x3  }
.LBB1_6:
0x3f: {  	_ =	sfence.sel $0x180000  }
0x40: {  	s2 =	simm.s32 $0x1;
	[bflag:$0x0] =	sbarrier.arrive $0xFFFF  }
0x41: {  	s31 =	simm.s32 $0x2;
	[sflag:s2] =	ssyncpa.u1 $0x1  }
0x42: {  	[sflag:s31] =	ssyncpa.u1 $0x1  }
0x43: {  	p0 =	sne.s32 s0, $0x0;
	_ =	strace $0x9000004A  }
0x44: {  	s0 =	sadd.s32 @!p0 $0x100000, s1;
	[bflag:$0x2] =	sbarrier.arrive $0xFFFF  }
0x45: {  	[sflag:s0] =	ssyncadd.tile.s32 @!p0 $0x1;
	_ =	shalt  }
.Lfunc_end1:
_tile_overlayer_lowered:
.L_overlay_start_2:
0x46: {  	(tag) =	ssettag $0x2  }
0x47: {  	s0 =	rddreg [dreg:$0x0];
	s2 =	stileid.u32  }
0x48: {  	s1 =	rddreg [dreg:$0x1];
	p0 =	sne.s32 s2, $0x0  }
0x49: {  	s3 =	rddreg [dreg:$0x2];
	[bflag:$0x3] =	sbarrier.arrive $0xFFFF;
	s2 =	simm.s32 @!p0 $0x1C01  }
0x4a: {  	[timem:s3], [sflag:s2] =	dma.local @!p0 [hbm:s0], s1  }
0x4b: {  	s0 =	simm.s32 @!p0 $0x1  }
0x4c: {  	_ =	swait.ge @!p0 [sflag:s0], s1  }
0x4d: {  	s1 =	ssub.s32 @!p0 $0x0, s1;
	[sflag:s0] =	ssyncset.done @!p0 $0x0  }
0x4e: {  	[sflag:s0] =	ssyncadd.s32 @!p0 s1  }
0x4f: {  	[bflag:$0x3] =	sbarrier.arrive $0xFFFF  }
0x50: {  	_ =	shalt  }

</sc_bundles>
